<compile_context>
chip_gen: v7x
topology: tpu7x:2x2x1
jax: 0.10.2.dev20260603
libtpu: 0.0.44.dev20260713+nightly
codegen_flags: <defaults>
</compile_context>

<pallas_src>
import functools

import jax
import jax.numpy as jnp
from jax import lax
from jax.experimental import pallas as pl
from jax.experimental.pallas import tpu as pltpu
from jax.experimental.pallas import tpu_sc as plsc

TOTAL_TOK = 32768
D_TS = 16
D_FEAT = 112
IN_FEATS = D_TS + D_FEAT
HIDDEN = 64
OUT = 32
NUM_SEGMENTS = 16
RRELU_SLOPE = (1.0 / 8.0 + 1.0 / 3.0) / 2.0

BLK = 16384
NB = TOTAL_TOK // BLK

LANES = 16

PART_COLS = 48


def _rrelu(x):
    return jnp.maximum(x, RRELU_SLOPE * x)


def _mlp_partials_body(seg_ref, ts_ref, ft_ref, w1t_ref, b1_ref, w2t_ref, b2_ref,
                       part_ref):
    h = jnp.dot(w1t_ref[:, 0:D_TS], ts_ref[...], preferred_element_type=jnp.float32)
    h = h + jnp.dot(w1t_ref[:, D_TS:], ft_ref[...], preferred_element_type=jnp.float32)
    b1_col = b1_ref[...].reshape(HIDDEN, 1)
    b2_col = b2_ref[...].reshape(OUT, 1)
    h = _rrelu(h + b1_col)
    y = _rrelu(jnp.dot(w2t_ref[...], h, preferred_element_type=jnp.float32)
               + b2_col)
    ids = seg_ref[0]
    seg_iota = lax.broadcasted_iota(jnp.int32, (NUM_SEGMENTS, BLK), 0)
    onehot_t = (seg_iota == ids).astype(jnp.float32)
    part = lax.dot_general(
        onehot_t, y, (((1,), (1,)), ((), ())), preferred_element_type=jnp.float32
    )
    cnt_col = jnp.sum(onehot_t, axis=1).reshape(NUM_SEGMENTS, 1)
    pad = jnp.zeros((NUM_SEGMENTS, PART_COLS - OUT - 1), jnp.float32)
    part_ref[0] = jnp.concatenate([part, cnt_col, pad], axis=1)


def _mlp_partials(seg3, ts_t, feats_t, W1t, b1_row, W2t, b2_row):
    return pl.pallas_call(
        _mlp_partials_body,
        grid=(NB,),
        in_specs=[
            pl.BlockSpec((1, 1, BLK), lambda i: (i, 0, 0)),
            pl.BlockSpec((D_TS, BLK), lambda i: (0, i)),
            pl.BlockSpec((D_FEAT, BLK), lambda i: (0, i)),
            pl.BlockSpec((HIDDEN, IN_FEATS), lambda i: (0, 0)),
            pl.BlockSpec((1, HIDDEN), lambda i: (0, 0)),
            pl.BlockSpec((OUT, HIDDEN), lambda i: (0, 0)),
            pl.BlockSpec((1, OUT), lambda i: (0, 0)),
        ],
        out_specs=pl.BlockSpec((1, NUM_SEGMENTS, PART_COLS), lambda i: (i, 0, 0)),
        out_shape=jax.ShapeDtypeStruct((NB, NUM_SEGMENTS, PART_COLS), jnp.float32),
    )(seg3, ts_t, feats_t, W1t, b1_row, W2t, b2_row)


@functools.partial(
    pl.kernel,
    mesh=plsc.VectorSubcoreMesh(core_axis_name="c", subcore_axis_name="s", num_cores=1),
    out_type=jax.ShapeDtypeStruct((NUM_SEGMENTS, OUT), jnp.float32),
    scratch_types=[
        pltpu.VMEM((NB, PART_COLS), jnp.float32),
        pltpu.VMEM((OUT,), jnp.float32),
    ],
)
def _sc_merge(parts_hbm, out_hbm, row_v, out_row_v):
    wid = lax.axis_index("s")

    @pl.when(wid < NUM_SEGMENTS)
    def _():
        pltpu.sync_copy(parts_hbm.at[:, wid, :], row_v)
        cchunk = row_v[0, pl.ds(OUT, LANES)]
        for b in range(1, NB):
            cchunk = cchunk + row_v[b, pl.ds(OUT, LANES)]
        c = jnp.maximum(cchunk[0], 1.0)
        for k in range(OUT // LANES):
            acc = row_v[0, pl.ds(k * LANES, LANES)]
            for b in range(1, NB):
                acc = acc + row_v[b, pl.ds(k * LANES, LANES)]
            out_row_v[pl.ds(k * LANES, LANES)] = acc / c
        pltpu.sync_copy(out_row_v, out_hbm.at[wid, :])


def kernel(ts, feats, segment_ids, W1, b1, W2, b2):
    seg3 = segment_ids.reshape(NB, 1, BLK)
    partials = _mlp_partials(
        seg3, ts.T, feats.T, W1.T, b1.reshape(1, HIDDEN), W2.T, b2.reshape(1, OUT)
    )
    return _sc_merge(partials)

# --- scband reference (transcript-rebuilt; emitter-appended) ---
"""Pipeline reference for scband-deep-aggr-82506321756632 (READ-ONLY COPY).

The authoritative reference and input builder live on the scoring server;
editing this copy changes nothing except your own understanding.
"""

import jax, jax.numpy as jnp
import numpy as np

TOTAL_TOK = 32768
D_TS = 16
D_FEAT = 112
IN_FEATS = D_TS + D_FEAT
HIDDEN = 64
OUT = 32
NUM_SEGMENTS = 16
# RReLU in eval mode acts as LeakyReLU with slope = (lower + upper) / 2
RRELU_SLOPE = (1.0 / 8.0 + 1.0 / 3.0) / 2.0


def _rrelu(x):
    return jnp.where(x >= 0, x, RRELU_SLOPE * x)


def setup_inputs(seed: int = 0) -> dict:
    key = jax.random.key(seed)
    k_ts, k_feats, k_seg, k_w1, k_b1, k_w2, k_b2 = jax.random.split(key, 7)
    ts = jax.random.normal(k_ts, (TOTAL_TOK, D_TS), dtype=jnp.float32)
    feats = jax.random.normal(k_feats, (TOTAL_TOK, D_FEAT), dtype=jnp.float32)
    segment_ids = jnp.sort(jax.random.randint(k_seg, (TOTAL_TOK,), 0, NUM_SEGMENTS, dtype=jnp.int32))
    bound1 = 1.0 / np.sqrt(IN_FEATS)
    bound2 = 1.0 / np.sqrt(HIDDEN)
    W1 = jax.random.uniform(k_w1, (IN_FEATS, HIDDEN), minval=-bound1, maxval=bound1, dtype=jnp.float32)
    b1 = jax.random.uniform(k_b1, (HIDDEN,), minval=-bound1, maxval=bound1, dtype=jnp.float32)
    W2 = jax.random.uniform(k_w2, (HIDDEN, OUT), minval=-bound2, maxval=bound2, dtype=jnp.float32)
    b2 = jax.random.uniform(k_b2, (OUT,), minval=-bound2, maxval=bound2, dtype=jnp.float32)
    return {"ts": ts, "feats": feats, "segment_ids": segment_ids, "W1": W1, "b1": b1, "W2": W2, "b2": b2}


def reference(ts, feats, segment_ids, W1, b1, W2, b2):
    # packed_cat: concatenate packed-sequence data along feature dim
    x = jnp.concatenate([ts, feats], axis=1)
    # packed_fn: apply MLP to the flat packed data
    h = _rrelu(jnp.dot(x, W1) + b1)
    y = _rrelu(jnp.dot(h, W2) + b2)
    # packed_aggr: mean over each sequence (segment mean)
    seg_sum = jax.ops.segment_sum(y, segment_ids, num_segments=NUM_SEGMENTS)
    counts = jax.ops.segment_sum(jnp.ones((y.shape[0],), dtype=jnp.float32), segment_ids, num_segments=NUM_SEGMENTS)
    counts = jnp.maximum(counts, 1.0)
    return seg_sum / counts[:, None]

if __name__ == "__main__":
    import jax
    _d = setup_inputs()
    print(jax.jit(kernel)(*tuple(_d.values())))

</pallas_src>

<mosaic_0001>
#map = affine_map<(d0, d1) -> (0, 0, 0)>
#map1 = affine_map<(d0, d1) -> (0, 0)>
module attributes {stable_mosaic.version = 14 : i64} {
  func.func @_sc_merge(%arg0: i32, %arg1: i32, %arg2: memref<2x16x48xf32, #tpu.memory_space<hbm>>, %arg3: memref<16x32xf32, #tpu.memory_space<hbm>>, %arg4: memref<2x48xf32, #tpu.memory_space<vmem>>, %arg5: memref<32xf32, #tpu.memory_space<vmem>>) attributes {dimension_semantics = [#tpu.dimension_semantics<core_parallel>, #tpu.dimension_semantics<subcore_parallel>], iteration_bounds = array<i64: 1, 16>, scalar_prefetch = 0 : i64, scratch_operands = 2 : i64, tpu.core_type = #tpu.core_type<sc_vector_subcore>, window_params = [{transform_indices = #map}, {transform_indices = #map1}]} {
    %lt3A = arith.constant 16 : i32
    %lt3A_0 = arith.cmpi slt, %arg1, %lt3A : i32
    %convert_element_type3A = arith.extui %lt3A_0 : i1 to i32
    %cond3A = arith.constant 0 : i32
    %cond3A_1 = arith.cmpi ne, %convert_element_type3A, %cond3A : i32
    scf.if %cond3A_1 {
      "tpu.region"() ({
        %run_scoped3A = tpu.sem_alloc : memref<!tpu.dma_semaphore, #tpu.memory_space<semaphore_mem>>
        %dma_start3A = arith.constant 0 : i32
        %dma_start3A_44 = arith.constant 0 : i32
        %dma_start3A_45 = tpu.memref_slice %arg2[%dma_start3A, %arg1, %dma_start3A_44] : memref<2x16x48xf32, #tpu.memory_space<hbm>> -> memref<2x1x48xf32, #tpu.memory_space<hbm>>
        %dma_start3A_46 = tpu.memref_squeeze %dma_start3A_45 : memref<2x1x48xf32, #tpu.memory_space<hbm>> -> memref<2x48xf32, #tpu.memory_space<hbm>>
        %dma_start3A_47 = arith.constant 0 : i32
        %dma_start3A_48 = arith.constant 0 : i32
        %dma_start3A_49 = tpu.memref_slice %arg2[%dma_start3A_47, %arg1, %dma_start3A_48] : memref<2x16x48xf32, #tpu.memory_space<hbm>> -> memref<2x1x48xf32, #tpu.memory_space<hbm>>
        %dma_start3A_50 = tpu.memref_squeeze %dma_start3A_49 : memref<2x1x48xf32, #tpu.memory_space<hbm>> -> memref<2x48xf32, #tpu.memory_space<hbm>>
        tpu.enqueue_dma source(%dma_start3A_50 : memref<2x48xf32, #tpu.memory_space<hbm>>) target(%arg4 : memref<2x48xf32, #tpu.memory_space<vmem>>) target_semaphore(%run_scoped3A : memref<!tpu.dma_semaphore, #tpu.memory_space<semaphore_mem>>)
        %dma_wait3A = arith.constant 0 : i32
        %dma_wait3A_51 = arith.constant 0 : i32
        %dma_wait3A_52 = tpu.memref_slice %arg2[%dma_wait3A, %arg1, %dma_wait3A_51] : memref<2x16x48xf32, #tpu.memory_space<hbm>> -> memref<2x1x48xf32, #tpu.memory_space<hbm>>
        %dma_wait3A_53 = tpu.memref_squeeze %dma_wait3A_52 : memref<2x1x48xf32, #tpu.memory_space<hbm>> -> memref<2x48xf32, #tpu.memory_space<hbm>>
        %dma_wait3A_54 = arith.constant 0 : i32
        %dma_wait3A_55 = arith.constant 0 : i32
        %dma_wait3A_56 = tpu.memref_slice %arg2[%dma_wait3A_54, %arg1, %dma_wait3A_55] : memref<2x16x48xf32, #tpu.memory_space<hbm>> -> memref<2x1x48xf32, #tpu.memory_space<hbm>>
        %dma_wait3A_57 = tpu.memref_squeeze %dma_wait3A_56 : memref<2x1x48xf32, #tpu.memory_space<hbm>> -> memref<2x48xf32, #tpu.memory_space<hbm>>
        tpu.wait_dma2 semaphore(%run_scoped3A : memref<!tpu.dma_semaphore, #tpu.memory_space<semaphore_mem>>) src(%dma_wait3A_57 : memref<2x48xf32, #tpu.memory_space<hbm>>) dst(%arg4 : memref<2x48xf32, #tpu.memory_space<vmem>>)
        tpu.yield
      }) : () -> ()
      %get3A = arith.constant 0 : i32
      %get3A_2 = arith.index_cast %get3A : i32 to index
      %get3A_3 = arith.constant 32 : index
      %get3A_4 = tpu.vector_load %arg4[%get3A_2, %get3A_3] {strides = array<i32>} : memref<2x48xf32, #tpu.memory_space<vmem>>, vector<1x16xf32>,
      %get3A_5 = vector.shape_cast %get3A_4 : vector<1x16xf32> to vector<16xf32>
      %get3A_6 = arith.constant 1 : i32
      %get3A_7 = arith.index_cast %get3A_6 : i32 to index
      %get3A_8 = arith.constant 32 : index
      %get3A_9 = tpu.vector_load %arg4[%get3A_7, %get3A_8] {strides = array<i32>} : memref<2x48xf32, #tpu.memory_space<vmem>>, vector<1x16xf32>,
      %get3A_10 = vector.shape_cast %get3A_9 : vector<1x16xf32> to vector<16xf32>
      %add3A = arith.addf %get3A_5, %get3A_10 : vector<16xf32>
      %slice3A = vector.extract_strided_slice %add3A {offsets = [0], sizes = [1], strides = [1]} : vector<16xf32> to vector<1xf32>
      %squeeze3A = vector.extract %slice3A[0] : f32 from vector<1xf32>
      %max3A = arith.constant 1.000000e+00 : f32
      %max3A_11 = arith.maximumf %squeeze3A, %max3A : f32
      %get3A_12 = arith.constant 0 : i32
      %get3A_13 = arith.index_cast %get3A_12 : i32 to index
      %get3A_14 = arith.constant 0 : index
      %get3A_15 = tpu.vector_load %arg4[%get3A_13, %get3A_14] {strides = array<i32>} : memref<2x48xf32, #tpu.memory_space<vmem>>, vector<1x16xf32>,
      %get3A_16 = vector.shape_cast %get3A_15 : vector<1x16xf32> to vector<16xf32>
      %get3A_17 = arith.constant 1 : i32
      %get3A_18 = arith.index_cast %get3A_17 : i32 to index
      %get3A_19 = arith.constant 0 : index
      %get3A_20 = tpu.vector_load %arg4[%get3A_18, %get3A_19] {strides = array<i32>} : memref<2x48xf32, #tpu.memory_space<vmem>>, vector<1x16xf32>,
      %get3A_21 = vector.shape_cast %get3A_20 : vector<1x16xf32> to vector<16xf32>
      %add3A_22 = arith.addf %get3A_16, %get3A_21 : vector<16xf32>
      %div3A = vector.broadcast %max3A_11 : f32 to vector<16xf32>
      %div3A_23 = arith.divf %add3A_22, %div3A : vector<16xf32>
      %swap3A = arith.constant 0 : index
      %swap3A_24 = tpu.vector_load %arg5[%swap3A] {strides = array<i32>} : memref<32xf32, #tpu.memory_space<vmem>>, vector<16xf32>,
      %swap3A_25 = vector.shape_cast %swap3A_24 : vector<16xf32> to vector<16xf32>
      %swap3A_26 = vector.shape_cast %div3A_23 : vector<16xf32> to vector<16xf32>
      tpu.vector_store %arg5[%swap3A], %swap3A_26 {strides = array<i32>} : memref<32xf32, #tpu.memory_space<vmem>>, vector<16xf32>,
      %get3A_27 = arith.constant 0 : i32
      %get3A_28 = arith.index_cast %get3A_27 : i32 to index
      %get3A_29 = arith.constant 16 : index
      %get3A_30 = tpu.vector_load %arg4[%get3A_28, %get3A_29] {strides = array<i32>} : memref<2x48xf32, #tpu.memory_space<vmem>>, vector<1x16xf32>,
      %get3A_31 = vector.shape_cast %get3A_30 : vector<1x16xf32> to vector<16xf32>
      %get3A_32 = arith.constant 1 : i32
      %get3A_33 = arith.index_cast %get3A_32 : i32 to index
      %get3A_34 = arith.constant 16 : index
      %get3A_35 = tpu.vector_load %arg4[%get3A_33, %get3A_34] {strides = array<i32>} : memref<2x48xf32, #tpu.memory_space<vmem>>, vector<1x16xf32>,
      %get3A_36 = vector.shape_cast %get3A_35 : vector<1x16xf32> to vector<16xf32>
      %add3A_37 = arith.addf %get3A_31, %get3A_36 : vector<16xf32>
      %div3A_38 = vector.broadcast %max3A_11 : f32 to vector<16xf32>
      %div3A_39 = arith.divf %add3A_37, %div3A_38 : vector<16xf32>
      %swap3A_40 = arith.constant 16 : index
      %swap3A_41 = tpu.vector_load %arg5[%swap3A_40] {strides = array<i32>} : memref<32xf32, #tpu.memory_space<vmem>>, vector<16xf32>,
      %swap3A_42 = vector.shape_cast %swap3A_41 : vector<16xf32> to vector<16xf32>
      %swap3A_43 = vector.shape_cast %div3A_39 : vector<16xf32> to vector<16xf32>
      tpu.vector_store %arg5[%swap3A_40], %swap3A_43 {strides = array<i32>} : memref<32xf32, #tpu.memory_space<vmem>>, vector<16xf32>,
      "tpu.region"() ({
        %run_scoped3A = tpu.sem_alloc : memref<!tpu.dma_semaphore, #tpu.memory_space<semaphore_mem>>
        %dma_start3A = arith.constant 0 : i32
        %dma_start3A_44 = tpu.memref_slice %arg3[%arg1, %dma_start3A] : memref<16x32xf32, #tpu.memory_space<hbm>> -> memref<1x32xf32, #tpu.memory_space<hbm>>
        %dma_start3A_45 = tpu.memref_squeeze %dma_start3A_44 : memref<1x32xf32, #tpu.memory_space<hbm>> -> memref<32xf32, #tpu.memory_space<hbm>>
        %dma_start3A_46 = arith.constant 0 : i32
        %dma_start3A_47 = tpu.memref_slice %arg3[%arg1, %dma_start3A_46] : memref<16x32xf32, #tpu.memory_space<hbm>> -> memref<1x32xf32, #tpu.memory_space<hbm>>
        %dma_start3A_48 = tpu.memref_squeeze %dma_start3A_47 : memref<1x32xf32, #tpu.memory_space<hbm>> -> memref<32xf32, #tpu.memory_space<hbm>>
        tpu.enqueue_dma source(%arg5 : memref<32xf32, #tpu.memory_space<vmem>>) target(%dma_start3A_48 : memref<32xf32, #tpu.memory_space<hbm>>) target_semaphore(%run_scoped3A : memref<!tpu.dma_semaphore, #tpu.memory_space<semaphore_mem>>)
        %dma_wait3A = arith.constant 0 : i32
        %dma_wait3A_49 = tpu.memref_slice %arg3[%arg1, %dma_wait3A] : memref<16x32xf32, #tpu.memory_space<hbm>> -> memref<1x32xf32, #tpu.memory_space<hbm>>
        %dma_wait3A_50 = tpu.memref_squeeze %dma_wait3A_49 : memref<1x32xf32, #tpu.memory_space<hbm>> -> memref<32xf32, #tpu.memory_space<hbm>>
        %dma_wait3A_51 = arith.constant 0 : i32
        %dma_wait3A_52 = tpu.memref_slice %arg3[%arg1, %dma_wait3A_51] : memref<16x32xf32, #tpu.memory_space<hbm>> -> memref<1x32xf32, #tpu.memory_space<hbm>>
        %dma_wait3A_53 = tpu.memref_squeeze %dma_wait3A_52 : memref<1x32xf32, #tpu.memory_space<hbm>> -> memref<32xf32, #tpu.memory_space<hbm>>
        tpu.wait_dma2 semaphore(%run_scoped3A : memref<!tpu.dma_semaphore, #tpu.memory_space<semaphore_mem>>) src(%arg5 : memref<32xf32, #tpu.memory_space<vmem>>) dst(%dma_wait3A_53 : memref<32xf32, #tpu.memory_space<hbm>>)
        tpu.yield
      }) : () -> ()
    } else {
    }
    return
  }
}

module attributes {stable_mosaic.version = 14 : i64} {
  func.func @_mlp_partials_body(%arg0: i32, %arg1: memref<1x1x16384xi32, #tpu.memory_space<vmem>>, %arg2: memref<16x16384xf32, #tpu.memory_space<vmem>>, %arg3: memref<112x16384xf32, #tpu.memory_space<vmem>>, %arg4: memref<64x128xf32, #tpu.memory_space<vmem>>, %arg5: memref<1x64xf32, #tpu.memory_space<vmem>>, %arg6: memref<32x64xf32, #tpu.memory_space<vmem>>, %arg7: memref<1x32xf32, #tpu.memory_space<vmem>>, %arg8: memref<1x16x48xf32, #tpu.memory_space<vmem>>) attributes {dimension_semantics = [#tpu.dimension_semantics<arbitrary>], iteration_bounds = array<i64: 2>, scalar_prefetch = 0 : i64, scratch_operands = 0 : i64, tpu.core_type = #tpu.core_type<tc>, window_params = [{transform_indices = @transform_0, window_bounds = array<i64: 1, 1, 16384>}, {transform_indices = @transform_1, window_bounds = array<i64: 16, 16384>}, {transform_indices = @transform_2, window_bounds = array<i64: 112, 16384>}, {pipeline_mode = #tpu.pipeline_mode<synchronous>, transform_indices = @transform_3, window_bounds = array<i64: 64, 128>}, {pipeline_mode = #tpu.pipeline_mode<synchronous>, transform_indices = @transform_4, window_bounds = array<i64: 1, 64>}, {pipeline_mode = #tpu.pipeline_mode<synchronous>, transform_indices = @transform_5, window_bounds = array<i64: 32, 64>}, {pipeline_mode = #tpu.pipeline_mode<synchronous>, transform_indices = @transform_6, window_bounds = array<i64: 1, 32>}, {transform_indices = @transform_7, window_bounds = array<i64: 1, 16, 48>}]} {
    %get3A = arith.constant 0 : index
    %get3A_0 = arith.constant 0 : index
    %get3A_1 = vector.load %arg4[%get3A, %get3A_0] : memref<64x128xf32, #tpu.memory_space<vmem>>, vector<64x16xf32>
    %get3A_2 = arith.constant 0 : index
    %get3A_3 = arith.constant 0 : index
    %get3A_4 = vector.load %arg2[%get3A_2, %get3A_3] : memref<16x16384xf32, #tpu.memory_space<vmem>>, vector<16x16384xf32>
    %dot_general3A = arith.constant dense<0.000000e+00> : vector<64x16384xf32>
    %dot_general3A_5 = tpu.matmul %get3A_1, %get3A_4, %dot_general3A {dimension_numbers = #tpu.dot_dimension_numbers<[1], [0], [0], [1], [0, 0, 1, 1], [], []>, transpose_lhs_hint = false} : vector<64x16xf32>, vector<16x16384xf32>, vector<64x16384xf32> -> vector<64x16384xf32>
    %get3A_6 = arith.constant 0 : index
    %get3A_7 = arith.constant 16 : index
    %get3A_8 = vector.load %arg4[%get3A_6, %get3A_7] : memref<64x128xf32, #tpu.memory_space<vmem>>, vector<64x112xf32>
    %get3A_9 = arith.constant 0 : index
    %get3A_10 = arith.constant 0 : index
    %get3A_11 = vector.load %arg3[%get3A_9, %get3A_10] : memref<112x16384xf32, #tpu.memory_space<vmem>>, vector<112x16384xf32>
    %dot_general3A_12 = arith.constant dense<0.000000e+00> : vector<64x16384xf32>
    %dot_general3A_13 = tpu.matmul %get3A_8, %get3A_11, %dot_general3A_12 {dimension_numbers = #tpu.dot_dimension_numbers<[1], [0], [0], [1], [0, 0, 1, 1], [], []>, transpose_lhs_hint = false} : vector<64x112xf32>, vector<112x16384xf32>, vector<64x16384xf32> -> vector<64x16384xf32>
    %add3A = arith.addf %dot_general3A_5, %dot_general3A_13 : vector<64x16384xf32>
    %get3A_14 = arith.constant 0 : index
    %get3A_15 = arith.constant 0 : index
    %get3A_16 = vector.load %arg5[%get3A_14, %get3A_15] : memref<1x64xf32, #tpu.memory_space<vmem>>, vector<1x64xf32>
    %reshape3A = vector.shape_cast %get3A_16 : vector<1x64xf32> to vector<64x1xf32>
    %get3A_17 = arith.constant 0 : index
    %get3A_18 = arith.constant 0 : index
    %get3A_19 = vector.load %arg7[%get3A_17, %get3A_18] : memref<1x32xf32, #tpu.memory_space<vmem>>, vector<1x32xf32>
    %reshape3A_20 = vector.shape_cast %get3A_19 : vector<1x32xf32> to vector<32x1xf32>
    %add3A_21 = vector.broadcast %reshape3A : vector<64x1xf32> to vector<64x16384xf32>
    %add3A_22 = arith.addf %add3A, %add3A_21 : vector<64x16384xf32>
    %ge3A = arith.constant 0.000000e+00 : f32
    %ge3A_23 = vector.broadcast %ge3A : f32 to vector<64x16384xf32>
    %ge3A_24 = arith.cmpf oge, %add3A_22, %ge3A_23 : vector<64x16384xf32>
    %mul3A = arith.constant 0.229166672 : f32
    %mul3A_25 = vector.broadcast %mul3A : f32 to vector<64x16384xf32>
    %mul3A_26 = arith.mulf %mul3A_25, %add3A_22 : vector<64x16384xf32>
    %select_n3A = arith.select %ge3A_24, %add3A_22, %mul3A_26 : vector<64x16384xi1>, vector<64x16384xf32>
    %get3A_27 = arith.constant 0 : index
    %get3A_28 = arith.constant 0 : index
    %get3A_29 = vector.load %arg6[%get3A_27, %get3A_28] : memref<32x64xf32, #tpu.memory_space<vmem>>, vector<32x64xf32>
    %dot_general3A_30 = arith.constant dense<0.000000e+00> : vector<32x16384xf32>
    %dot_general3A_31 = tpu.matmul %get3A_29, %select_n3A, %dot_general3A_30 {dimension_numbers = #tpu.dot_dimension_numbers<[1], [0], [0], [1], [0, 0, 1, 1], [], []>, transpose_lhs_hint = false} : vector<32x64xf32>, vector<64x16384xf32>, vector<32x16384xf32> -> vector<32x16384xf32>
    %add3A_32 = vector.broadcast %reshape3A_20 : vector<32x1xf32> to vector<32x16384xf32>
    %add3A_33 = arith.addf %dot_general3A_31, %add3A_32 : vector<32x16384xf32>
    %ge3A_34 = arith.constant 0.000000e+00 : f32
    %ge3A_35 = vector.broadcast %ge3A_34 : f32 to vector<32x16384xf32>
    %ge3A_36 = arith.cmpf oge, %add3A_33, %ge3A_35 : vector<32x16384xf32>
    %mul3A_37 = arith.constant 0.229166672 : f32
    %mul3A_38 = vector.broadcast %mul3A_37 : f32 to vector<32x16384xf32>
    %mul3A_39 = arith.mulf %mul3A_38, %add3A_33 : vector<32x16384xf32>
    %select_n3A_40 = arith.select %ge3A_36, %add3A_33, %mul3A_39 : vector<32x16384xi1>, vector<32x16384xf32>
    %get3A_41 = arith.constant 0 : index
    %get3A_42 = arith.constant 0 : index
    %get3A_43 = arith.constant 0 : index
    %get3A_44 = vector.load %arg1[%get3A_41, %get3A_42, %get3A_43] : memref<1x1x16384xi32, #tpu.memory_space<vmem>>, vector<1x1x16384xi32>
    %get3A_45 = vector.shape_cast %get3A_44 : vector<1x1x16384xi32> to vector<1x16384xi32>
    %iota3A = tpu.iota {dimensions = array<i32: 0>} : vector<16x16384xi32>
    %eq3A = vector.broadcast %get3A_45 : vector<1x16384xi32> to vector<16x16384xi32>
    %eq3A_46 = arith.cmpi eq, %iota3A, %eq3A : vector<16x16384xi32>
    %convert_element_type3A = arith.extui %eq3A_46 : vector<16x16384xi1> to vector<16x16384xi32>
    %convert_element_type3A_47 = arith.sitofp %convert_element_type3A : vector<16x16384xi32> to vector<16x16384xf32>
    %dot_general3A_48 = arith.constant dense<0.000000e+00> : vector<16x32xf32>
    %dot_general3A_49 = tpu.matmul %convert_element_type3A_47, %select_n3A_40, %dot_general3A_48 {dimension_numbers = #tpu.dot_dimension_numbers<[1], [1], [0], [0], [0, 0, 1, 0], [], []>, transpose_lhs_hint = false} : vector<16x16384xf32>, vector<32x16384xf32>, vector<16x32xf32> -> vector<16x32xf32>
    %reduce_sum3A = arith.constant dense<0.000000e+00> : vector<16xf32>
    %reduce_sum3A_50 = vector.multi_reduction <add>, %convert_element_type3A_47, %reduce_sum3A [1] : vector<16x16384xf32> to vector<16xf32>
    %reshape3A_51 = vector.shape_cast %reduce_sum3A_50 : vector<16xf32> to vector<16x1xf32>
    %broadcast_in_dim3A = arith.constant 0.000000e+00 : f32
    %broadcast_in_dim3A_52 = vector.broadcast %broadcast_in_dim3A : f32 to vector<16x15xf32>
    %concatenate3A = tpu.concatenate %dot_general3A_49, %reshape3A_51, %broadcast_in_dim3A_52 in 1 : vector<16x32xf32>, vector<16x1xf32>, vector<16x15xf32> -> vector<16x48xf32>
    %swap3A = arith.constant 0 : index
    %swap3A_53 = arith.constant 0 : index
    %swap3A_54 = arith.constant 0 : index
    %swap3A_55 = vector.load %arg8[%swap3A, %swap3A_53, %swap3A_54] : memref<1x16x48xf32, #tpu.memory_space<vmem>>, vector<1x16x48xf32>
    %swap3A_56 = vector.shape_cast %swap3A_55 : vector<1x16x48xf32> to vector<16x48xf32>
    %swap3A_57 = vector.shape_cast %concatenate3A : vector<16x48xf32> to vector<1x16x48xf32>
    tpu.vector_store %arg8[%swap3A, %swap3A_53, %swap3A_54], %swap3A_57 {strides = array<i32>} : memref<1x16x48xf32, #tpu.memory_space<vmem>>, vector<1x16x48xf32>,
    return
  }
  func.func @transform_0(%arg0: i32) -> (i32, i32, i32) {
    %c0_i32 = arith.constant 0 : i32
    %c0_i32_0 = arith.constant 0 : i32
    %c0_i32_1 = arith.constant 0 : i32
    return %arg0, %c0_i32, %c0_i32_0 : i32, i32, i32
  }
  func.func @transform_1(%arg0: i32) -> (i32, i32) {
    %c0_i32 = arith.constant 0 : i32
    %c0_i32_0 = arith.constant 0 : i32
    return %c0_i32, %arg0 : i32, i32
  }
  func.func @transform_2(%arg0: i32) -> (i32, i32) {
    %c0_i32 = arith.constant 0 : i32
    %c0_i32_0 = arith.constant 0 : i32
    return %c0_i32, %arg0 : i32, i32
  }
  func.func @transform_3(%arg0: i32) -> (i32, i32) {
    %c0_i32 = arith.constant 0 : i32
    %c0_i32_0 = arith.constant 0 : i32
    %c0_i32_1 = arith.constant 0 : i32
    return %c0_i32, %c0_i32_0 : i32, i32
  }
  func.func @transform_4(%arg0: i32) -> (i32, i32) {
    %c0_i32 = arith.constant 0 : i32
    %c0_i32_0 = arith.constant 0 : i32
    %c0_i32_1 = arith.constant 0 : i32
    return %c0_i32, %c0_i32_0 : i32, i32
  }
  func.func @transform_5(%arg0: i32) -> (i32, i32) {
    %c0_i32 = arith.constant 0 : i32
    %c0_i32_0 = arith.constant 0 : i32
    %c0_i32_1 = arith.constant 0 : i32
    return %c0_i32, %c0_i32_0 : i32, i32
  }
  func.func @transform_6(%arg0: i32) -> (i32, i32) {
    %c0_i32 = arith.constant 0 : i32
    %c0_i32_0 = arith.constant 0 : i32
    %c0_i32_1 = arith.constant 0 : i32
    return %c0_i32, %c0_i32_0 : i32, i32
  }
  func.func @transform_7(%arg0: i32) -> (i32, i32, i32) {
    %c0_i32 = arith.constant 0 : i32
    %c0_i32_0 = arith.constant 0 : i32
    %c0_i32_1 = arith.constant 0 : i32
    return %arg0, %c0_i32, %c0_i32_0 : i32, i32, i32
  }
}

</mosaic_0001>

<sc_bundles>
// kernel: kernel.4.cloned.1.call-start
scs
__scs_entry_jumppad:
0x0: {  	(pc) =	sbr.rel $0x88, $3  }
0x1: {  	(tag) =	ssettag $0x0;
	lr =	simm.s32 $0x1  }
0x2: {  	[smem:$0x3F9A] =	sst lr;
	_ =	strace $0xD0000000  }
0x3: {  	_ = 	snop  }
0x4: {  	_ = 	snop  }
0x5: {  	_ = 	snop  }
0x6: {  	_ = 	snop  }
0x7: {  	_ = 	snop  }
__scs_overlays_trampoline_lowered:
0x8: {  	[smem:$0x3FA9] =	sst s0  }
0x9: {  	[smem:$0x3FAA] =	sst s1  }
0xa: {  	[smem:$0x3FAB] =	sst s2  }
0xb: {  	[smem:$0x3FAC] =	sst s3  }
0xc: {  	[smem:$0x3FAD] =	sst s4  }
0xd: {  	[smem:$0x3FAE] =	sst s5  }
0xe: {  	[smem:$0x3FAF] =	sst s6  }
0xf: {  	[smem:$0x3FB0] =	sst s7  }
0x10: {  	[smem:$0x3FB1] =	sst s8  }
0x11: {  	[smem:$0x3FB2] =	sst s9;
	s0 =	simm.s32 @!p0 $0x0  }
0x12: {  	s1 =	sld [smem:$0x3F98];
	s0 =	simm.s32 @p0 $0x1  }
0x13: {  	[smem:$0x3FB3] =	sst s0;
	s0 =	simm.s32 @!p1 $0x0  }
0x14: {  	s2 =	sld [smem:$0x3F97];
	s0 =	simm.s32 @p1 $0x1  }
0x15: {  	[smem:$0x3FB4] =	sst s0;
	s0 =	simm.s32 @!p2 $0x0  }
0x16: {  	s3 =	sld [smem:$0x3FDB];
	s0 =	simm.s32 @p2 $0x1  }
0x17: {  	s4 =	simm.s32 $0x1BF5;
	[smem:$0x3FB6] =	sst s0  }
0x18: {  	s0 =	sld [smem:$0x3F99];
	_ =	swait.ge [sflag:s4], $0x0  }
0x19: {  	s7 =	sld [smem:$0x3F9A]  }
0x1a: {  	s8 =	sadd.s32 $0xFFFFE003, lr  }
0x1b: {  	s9 =	sadd.s32 $0xFFFFFEF7, lr;
	s5 =	simm.s32 $0xFFFFFFFF;
	p2 =	slt.u32 s8, $0xFFFFF086  }
0x1c: {  	p1 =	slt.u32 s9, $0xF7A;
	s5 =	simm.s32 @!p2 $0x0  }
0x1d: {  	s5 =	simm.s32 @p1 $0x1;
	p0 =	seq.s32 s7, s2  }
0x1e: {  	s7 =	smul.u32 @!p0 $0xF7A, s2;
	p2 =	seq.s32 @!p0 s5, $0x0  }
0x1f: {  	s9 =	smul.u32 $0xF7A, s1;
	s8 =	simm.s32 @!p0 $0x1BF5;
	p2 =	por !p2, p0  }
0x20: {  	[sflag:s8] =	ssyncset.s32 @!p0 $0xFFFFF086;
	s6 =	sadd.s32 @!p0 s3, s7;
	s7 =	simm.s32 @!p0 $0x108  }
0x21: {  	s3 =	sadd.s32 s3, s9;
	s6 =	sadd.s32 @!p0 $0x88, s6;
	s7 =	simm.s32 @p2 $0x1082  }
0x22: {  	[simem:s7], [sflag:s8] =	dma.local @!p0 [hbm:s6], $0xF7A  }
0x23: {  	s9 =	sor.u32 $0xD0000000, s2;
	s6 =	simm.s32 $0x108;
	_ =	swait.ge @!p0 [sflag:s8], $0x0  }
0x24: {  	s3 =	sadd.s32 $0x88, s3;
	s6 =	simm.s32 @!p1 $0x1082;
	[sflag:s4] =	ssyncset.s32 $0xFFFFF086  }
0x25: {  	[simem:s6], [sflag:s4] =	dma.local [hbm:s3], $0xF7A  }
0x26: {  	[smem:$0x3F9A] =	sst s1;
	(tag) =	ssettag s2;
	_ =	strace s9  }
0x27: {  	s1 =	sld [smem:$0x3FAA]  }
0x28: {  	s2 =	sld [smem:$0x3FAB]  }
0x29: {  	s4 =	sld [smem:$0x3FAD]  }
0x2a: {  	p0 =	seq.s32 s5, $0x0;
	s5 =	sld [smem:$0x3FAE]  }
0x2b: {  	s6 =	sld [smem:$0x3FAF]  }
0x2c: {  	s7 =	sld [smem:$0x3FB0]  }
0x2d: {  	s3 =	simm.s32 $0x108;
	s8 =	sld [smem:$0x3FB1]  }
0x2e: {  	s3 =	simm.s32 @!p0 $0x1082;
	s9 =	sld [smem:$0x3FB2]  }
0x2f: {  	lr =	sadd.s32 s0, s3;
	s0 =	sld [smem:$0x3FA9]  }
0x30: {  	s3 =	sld [smem:$0x3FAC]  }
0x31: {  	[smem:$0x3FB5] =	sst s10  }
0x32: {  	s10 =	sld [smem:$0x3FB3];
	_ =	sdelay $0x3  }
0x33: {  	p0 =	seq.s32 s10, $0x1;
	s10 =	sld [smem:$0x3FB5];
	_ =	sdelay $0x3  }
0x34: {  	[smem:$0x3FB5] =	sst s10  }
0x35: {  	s10 =	sld [smem:$0x3FB4];
	_ =	sdelay $0x3  }
0x36: {  	p1 =	seq.s32 s10, $0x1;
	s10 =	sld [smem:$0x3FB5];
	_ =	sdelay $0x3  }
0x37: {  	[smem:$0x3FB5] =	sst s10  }
0x38: {  	s10 =	sld [smem:$0x3FB6]  }
0x39: {  	_ = 	snop;
	(pc) =	sbr.ind lr, $3  }
0x3a: {  	_ = 	snop  }
0x3b: {  	_ = 	snop  }
0x3c: {  	p2 =	seq.s32 s10, $0x1;
	s10 =	sld [smem:$0x3FB5]  }
0x3d: {  	_ =	shalt  }
0x3e: {  	_ =	shalt  }
0x3f: {  	_ =	shalt  }
0x40: {  	_ =	shalt  }
0x41: {  	_ =	shalt  }
0x42: {  	_ =	shalt  }
0x43: {  	_ =	shalt  }
0x44: {  	_ =	shalt  }
0x45: {  	_ =	shalt  }
0x46: {  	_ =	shalt  }
0x47: {  	_ =	shalt  }
0x48: {  	_ =	shalt  }
0x49: {  	_ =	shalt  }
0x4a: {  	_ =	shalt  }
0x4b: {  	_ =	shalt  }
0x4c: {  	_ =	shalt  }
0x4d: {  	_ =	shalt  }
0x4e: {  	_ =	shalt  }
0x4f: {  	_ =	shalt  }
0x50: {  	_ =	shalt  }
0x51: {  	_ =	shalt  }
0x52: {  	_ =	shalt  }
0x53: {  	_ =	shalt  }
0x54: {  	_ =	shalt  }
0x55: {  	_ =	shalt  }
0x56: {  	_ =	shalt  }
0x57: {  	_ =	shalt  }
0x58: {  	_ =	shalt  }
0x59: {  	_ =	shalt  }
0x5a: {  	_ =	shalt  }
0x5b: {  	_ =	shalt  }
0x5c: {  	_ =	shalt  }
0x5d: {  	_ =	shalt  }
0x5e: {  	_ =	shalt  }
0x5f: {  	_ =	shalt  }
0x60: {  	_ =	shalt  }
0x61: {  	_ =	shalt  }
0x62: {  	_ =	shalt  }
0x63: {  	_ =	shalt  }
0x64: {  	_ =	shalt  }
0x65: {  	_ =	shalt  }
0x66: {  	_ =	shalt  }
0x67: {  	_ =	shalt  }
0x68: {  	_ =	shalt  }
0x69: {  	_ =	shalt  }
0x6a: {  	_ =	shalt  }
0x6b: {  	_ =	shalt  }
0x6c: {  	_ =	shalt  }
0x6d: {  	_ =	shalt  }
0x6e: {  	_ =	shalt  }
0x6f: {  	_ =	shalt  }
0x70: {  	_ =	shalt  }
0x71: {  	_ =	shalt  }
0x72: {  	_ =	shalt  }
0x73: {  	_ =	shalt  }
0x74: {  	_ =	shalt  }
0x75: {  	_ =	shalt  }
0x76: {  	_ =	shalt  }
0x77: {  	_ =	shalt  }
0x78: {  	_ =	shalt  }
0x79: {  	_ =	shalt  }
0x7a: {  	_ =	shalt  }
0x7b: {  	_ =	shalt  }
0x7c: {  	_ =	shalt  }
0x7d: {  	_ =	shalt  }
0x7e: {  	_ =	shalt  }
0x7f: {  	_ =	shalt  }
0x80: {  	_ =	shalt  }
0x81: {  	_ =	shalt  }
0x82: {  	_ =	shalt  }
0x83: {  	_ =	shalt  }
0x84: {  	_ =	shalt  }
0x85: {  	_ =	shalt  }
0x86: {  	_ =	shalt  }
0x87: {  	_ =	shalt  }
.Lfunc_end0:
.L_simem_size_0:
called_computation_lowered:
.L_overlay_start_0:
0x88: {  	s0 =	sld [smem:$0x3FD9]  }
0x89: {  	s1 =	sld [smem:$0x3FFE];
	_ =	sdelay $0x3  }
0x8a: {  	s0 =	sadd.s32 s1, s0  }
0x8b: {  	[smem:$0x3FC1] =	sst s0  }
0x8c: {  	_ = 	snop  }
0x8d: {  	s0 =	sld [smem:$0x3FD0];
	(tm) =	ssettm $0x1  }
0x8e: {  	s16 =	sld [smem:$0x3FFB];
	_ =	sdelay $0x3  }
0x8f: {  	_ =	strace s16  }
0x90: {  	s1 =	sld [smem:$0x3FFC];
	_ =	sdelay $0x3  }
0x91: {  	_ =	strace s1  }
0x92: {  	s1 =	sld [smem:$0x3FFD];
	_ =	sdelay $0x3  }
0x93: {  	_ =	strace s1  }
0x94: {  	_ =	strace $0x8FFFFFFF  }
0x95: {  	s17 =	sld [smem:$0x3FDB];
	_ =	sdelay $0x1  }
0x96: {  	s2 =	simm.s32 $_scs_section_size  }
0x97: {  	s3 =	simm.s32 $_size__tile_overlayer_lowered;
	s4 =	simm.s32 $_tile_overlayer_lowered  }
0x98: {  	s20 =	simm.s32 $0x1BFF;
	s19 =	sshll.u32 s4, $0x1;
	s1 =	sadd.s32 s2, s17  }
0x99: {  	s5 =	simm.s32 $0x0;
	s18 =	sshll.u32 s3, $0x1;
	s3 =	sadd.s32 s19, s1  }
0x9a: {  	[timem:s5], [sflag:s20] =	dma.local [hbm:s3], s18  }
0x9b: {  	_ =	swait.ge [sflag:s20], s18  }
0x9c: {  	s2 =	ssub.s32 $0x0, s18;
	[sflag:s20] =	ssyncset.done $0x0  }
0x9d: {  	[sflag:s20] =	ssyncadd.s32 s2;
	_ =	sdelay $0x1  }
0x9e: {  	s21 =	simm.s32 $0x1B8B  }
0x9f: {  	_ =	swait.ge [sflag:s21], $0x1  }
0xa0: {  	[sflag:s21] =	ssyncset.done $0x0  }
0xa1: {  	s23 =	simm.s32 $0x1B8E;
	s22 =	sld [smem:$0x3FFE];
	[sflag:s21] =	ssyncadd.s32 $0xFFFFFFFF  }
0xa2: {  	s24 =	simm.s32 $execute0_lowered;
	[smem:$0x3FD2] =	sst s23  }
0xa3: {  	s3 =	sshll.u32 s24, $0x1;
	_ =	strace $0x80000046;
	[dreg:$0x1] =	wrdreg $0xFFFFFFFF  }
0xa4: {  	s25 =	simm.s32 $_size_execute0_lowered;
	s1 =	sadd.s32 s1, s3;
	[dreg:$0x0] =	wrdreg $0x0  }
0xa5: {  	s3 =	sshll.u32 s25, $0x1;
	[dreg:$0x2] =	wrdreg s1  }
0xa6: {  	[dreg:$0x3] =	wrdreg s3  }
0xa7: {  	[dreg:$0x4] =	wrdreg $0xC0  }
0xa8: {  	_ =	task [dreg:s5], $0x5FFFF  }
0xa9: {  	[dreg:$0x1] =	wrdreg $0xFFFFFFFF  }
0xaa: {  	[dreg:$0x0] =	wrdreg $0x60  }
0xab: {  	[dreg:$0x2] =	wrdreg s22  }
0xac: {  	[dreg:$0x3] =	wrdreg s0  }
0xad: {  	[dreg:$0x4] =	wrdreg $0x9  }
0xae: {  	_ =	task.clear_ibuf [dreg:s5], $0x5FFFF;
	_ =	strace $0x90000046  }
0xaf: {  	s26 =	simm.s32 $0x9;
	_ =	strace $0x80000048  }
0xb0: {  	_ =	swait.ge [sflag:s26], $0x1  }
0xb1: {  	[sflag:s26] =	ssyncadd.s32 $0xFFFFFFFF  }
0xb2: {  	_ =	strace $0x90000048  }
0xb3: {  	_ =	sfence  }
0xb4: {  	s28 =	sld [smem:$0x0];
	_ =	sdelay $0x1  }
0xb5: {  	s29 =	srdreg.scid  }
0xb6: {  	s30 =	sshll.u32 s29, $0xD;
	s31 =	sshrl.u32 s29, $0x2  }
0xb7: {  	s2 =	sand.u32 $0x4000, s30;
	s1 =	sand.u32 $0x1, s29;
	s0 =	sadd.s32 s31, s28  }
0xb8: {  	s1 =	sor.u32 s2, s1;
	s0 =	sshll.u32 s0, $0x11  }
0xb9: {  	s0 =	sor.u32 s0, s1  }
0xba: {  	s0 =	sadd.s32 $0x8F2B, s0  }
0xbb: {  	[sflag:s0] =	ssyncadd.remote.s32 $0x1  }
0xbc: {  	_ =	sfence.sel $0xFFFF  }
0xbd: {  	[dreg:$0x0] =	wrdreg $0xFFFFFFFF;
	(pc) =	sbr.abs _section_cstart, $3  }
0xbe: {  	[dreg:$0x1] =	wrdreg $0xFFFFFFFF  }
0xbf: {  	_ =	task.clear_ibuf [dreg:s5], $0x2FFFF;
	_ =	strace $0x9FFFFFFF  }
0xc0: {  	(tm) =	ssettm $0x7FFFFFFF  }
0xc1: {  	_ =	shalt  }
tec
execute0_lowered:
.L_overlay_start_1:
0x0: {  	(tag) =	ssettag $0x1  }
0x1: {  	s0 =	rddreg [dreg:$0x0]  }
0x2: {  	s1 =	rddreg [dreg:$0x1]  }
0x3: {  	s2 =	rddreg [dreg:$0x2];
	s4 =	stileid.u32  }
0x4: {  	s3 =	simm.s32 $0x0;
	s6 =	simm.s32 $0x80;
	s5 =	sshll.u32 s4, $0x4  }
0x5: {  	s7 =	simm.s32 $0x800;
	[smem:$0x7FF] =	sst s3;
	s0 =	sadd.s32 s5, s0  }
0x6: {  	s28 =	simm.s32 $0x1;
	_ =	strace $0x80000047;
	s0 =	sadd.s32 $0x1400, s0  }
0x7: {  	[tilespmem:s3], [sflag:$0x1] =	stream.strided.gather [hbm4b:s0+s6], $0x100, s7, s6, $0x38;
	[tilespmem:$0x180] =	vst v63  }
0x8: {  	_ =	swait.ge [sflag:s28], $0x100  }
0x9: {  	[sflag:s28] =	ssyncset.done $0x0  }
0xa: {  	[sflag:s28] =	ssyncadd.s32 $0xFFFFFF00  }
0xb: {  	v0 =	vld [tilespmem:$0x20]  }
0xc: {  	v1 =	vld [tilespmem:$0xA0];
	_ =	sdelay $0x3  }
0xd: {  	(v2sf) =	vpush v0, $0x0  }
0xe: {  	(v2sf) =	vpush v1, $0x0;
	_ =	sdelay $0xd  }
0xf: {  	s29 =	spop (v2sf)  }
0x10: {  	s30 =	spop (v2sf)  }
0x11: {  	s6 =	sadd.f32 s30, s29;
	_ =	sdelay $0x1  }
0x12: {  	s6 =	smax.f32 s6, $1.000000000e+00  }
0x13: {  	v59 =	vmov s6  }
0x14: {  	(erf) = vrcp.f32 v59  }
0x15: {  	v60 =	vld [tilespmem:$0x0]  }
0x16: {  	v61 =	vld [tilespmem:$0x80]  }
0x17: {  	v2 =	vld [tilespmem:$0x10]  }
0x18: {  	v3 =	vld [tilespmem:$0x90];
	_ =	sdelay $0x3  }
0x19: {  	v0 =	vadd.f32 v61, v60  }
0x1a: {  	v62 =	vadd.f32 v3, v2;
	v63 =	vpop (erf)  }
0x1b: {  	v0 =	vmul.f32 v63, v0  }
0x1c: {  	v1 =	vmul.f32 v63, v62  }
0x1d: {  	[tilespmem:$0x100] =	vst v0  }
0x1e: {  	s31 =	simm.s32 $0x100;
	s1 =	sadd.s32 s1, s5;
	[tilespmem:$0x110] =	vst v1  }
0x1f: {  	[hbm4b:s1+s3] =	stream.linear.scatter [tilespmem:s31], [sflag:$0x1], $0x80, $0x38;
	[tilespmem:$0x180] =	vst v63  }
0x20: {  	_ =	swait.ge [sflag:s28], $0x80  }
0x21: {  	[sflag:s28] =	ssyncset.done $0x0  }
0x22: {  	[sflag:s28] =	ssyncadd.s32 $0xFFFFFF80  }
0x23: {  	_ =	sfence.sel $0x180000  }
0x24: {  	[bflag:$0x0] =	sbarrier.arrive $0xFFFF  }
0x25: {  	p0 =	sne.s32 s4, $0x0;
	_ =	strace $0x90000047  }
0x26: {  	s0 =	sadd.s32 @!p0 $0x100000, s2;
	[bflag:$0x2] =	sbarrier.arrive $0xFFFF  }
0x27: {  	[sflag:s0] =	ssyncadd.tile.s32 @!p0 $0x1;
	_ =	shalt  }
.Lfunc_end2:
_tile_overlayer_lowered:
.L_overlay_start_2:
0x28: {  	(tag) =	ssettag $0x2  }
0x29: {  	s0 =	rddreg [dreg:$0x0];
	s2 =	stileid.u32  }
0x2a: {  	s1 =	rddreg [dreg:$0x1];
	p0 =	sne.s32 s2, $0x0  }
0x2b: {  	s3 =	rddreg [dreg:$0x2];
	[bflag:$0x3] =	sbarrier.arrive $0xFFFF;
	s2 =	simm.s32 @!p0 $0x1C01  }
0x2c: {  	[timem:s3], [sflag:s2] =	dma.local @!p0 [hbm:s0], s1  }
0x2d: {  	s0 =	simm.s32 @!p0 $0x1  }
0x2e: {  	_ =	swait.ge @!p0 [sflag:s0], s1  }
0x2f: {  	s1 =	ssub.s32 @!p0 $0x0, s1;
	[sflag:s0] =	ssyncset.done @!p0 $0x0  }
0x30: {  	[sflag:s0] =	ssyncadd.s32 @!p0 s1  }
0x31: {  	[bflag:$0x3] =	sbarrier.arrive $0xFFFF  }
0x32: {  	_ =	shalt  }

</sc_bundles>
